<compile_context>
chip_gen: v7x
topology: tpu7x:2x2x1
jax: 0.10.2.dev20260603
libtpu: 0.0.44.dev20260713+nightly
codegen_flags: <defaults>
</compile_context>

<pallas_src>
import jax
import jax.numpy as jnp
from jax import lax
from jax.experimental import pallas as pl
from jax.experimental.pallas import tpu as pltpu
from jax.experimental.pallas import tpu_sc as plsc

N_TEAMS = 100000
BATCH = 16384
NC = 2
NS = 16
L = 16
NW = NC * NS
B_PER_W = BATCH // NW


def _body(home_hbm, away_hbm, att_hbm, dfn_hbm, adv_hbm,
          lamh_hbm, lama_hbm,
          hidx_v, aidx_v, ha_v, ad_v, aa_v, hd_v, lamh_v, lama_v, adv_v,
          semh, sema, semv, semg1, semg2, semo):
    wid = lax.axis_index("s") * NC + lax.axis_index("c")
    base = wid * B_PER_W

    ch = pltpu.async_copy(home_hbm.at[pl.ds(base, B_PER_W)], hidx_v, semh)
    ca = pltpu.async_copy(away_hbm.at[pl.ds(base, B_PER_W)], aidx_v, sema)
    cv = pltpu.async_copy(adv_hbm, adv_v.at[pl.ds(0, 1)], semv)
    ch.wait()
    c1 = pltpu.async_copy(att_hbm.at[hidx_v], ha_v, semg1)
    ca.wait()
    c2 = pltpu.async_copy(dfn_hbm.at[aidx_v], ad_v, semg1)
    c3 = pltpu.async_copy(att_hbm.at[aidx_v], aa_v, semg2)
    c4 = pltpu.async_copy(dfn_hbm.at[hidx_v], hd_v, semg2)
    cv.wait()
    adv = jnp.broadcast_to(adv_v[...][0], (L,))

    c1.wait()
    c2.wait()

    def _loop1(i, carry):
        s = pl.ds(i * L, L)
        lamh_v[s] = jnp.exp(ha_v[s] - ad_v[s] + adv)
        return carry

    lax.fori_loop(0, B_PER_W // L, _loop1, 0, unroll=1)
    o1 = pltpu.async_copy(lamh_v, lamh_hbm.at[pl.ds(base, B_PER_W)], semo)

    c3.wait()
    c4.wait()

    def _loop2(i, carry):
        s = pl.ds(i * L, L)
        lama_v[s] = jnp.exp(aa_v[s] - hd_v[s])
        return carry

    lax.fori_loop(0, B_PER_W // L, _loop2, 0, unroll=1)
    o2 = pltpu.async_copy(lama_v, lama_hbm.at[pl.ds(base, B_PER_W)], semo)
    o1.wait()
    o2.wait()


def _sc_call(home_i32, away_i32, attack, defense, adv_vec):
    mesh = plsc.VectorSubcoreMesh(
        core_axis_name="c", subcore_axis_name="s",
        num_cores=NC, num_subcores=NS)
    f32 = jnp.float32
    out_type = (jax.ShapeDtypeStruct((BATCH,), f32),
                jax.ShapeDtypeStruct((BATCH,), f32))
    scratch = [
        pltpu.VMEM((B_PER_W,), jnp.int32),
        pltpu.VMEM((B_PER_W,), jnp.int32),
        pltpu.VMEM((B_PER_W,), f32),
        pltpu.VMEM((B_PER_W,), f32),
        pltpu.VMEM((B_PER_W,), f32),
        pltpu.VMEM((B_PER_W,), f32),
        pltpu.VMEM((B_PER_W,), f32),
        pltpu.VMEM((B_PER_W,), f32),
        pltpu.VMEM((L,), f32),
        pltpu.SemaphoreType.DMA,
        pltpu.SemaphoreType.DMA,
        pltpu.SemaphoreType.DMA,
        pltpu.SemaphoreType.DMA,
        pltpu.SemaphoreType.DMA,
        pltpu.SemaphoreType.DMA,
    ]
    return pl.kernel(_body, out_type=out_type, mesh=mesh,
                     scratch_types=scratch)(
        home_i32, away_i32, attack, defense, adv_vec)


def kernel(home_teams, away_teams, attack_ratings, defense_ratings,
           home_advantage):
    home_i32 = home_teams.astype(jnp.int32)
    away_i32 = away_teams.astype(jnp.int32)
    adv_vec = jnp.asarray(home_advantage, dtype=jnp.float32).reshape(1)
    return _sc_call(home_i32, away_i32, attack_ratings, defense_ratings,
                    adv_vec)

# --- scband reference (transcript-rebuilt; emitter-appended) ---
"""Pipeline reference for scband-soccer-rating-net-48034914238670 (READ-ONLY COPY).

The authoritative reference and input builder live on the scoring server;
editing this copy changes nothing except your own understanding.
"""

import jax, jax.numpy as jnp
import numpy as np

N_TEAMS = 100000
BATCH = 16384

def setup_inputs(seed: int = 0) -> dict:
    key = jax.random.key(seed)
    k1, k2, k3, k4 = jax.random.split(key, 4)
    return {
        "home_teams": jax.random.randint(k1, (BATCH,), 0, N_TEAMS),
        "away_teams": jax.random.randint(k2, (BATCH,), 0, N_TEAMS),
        "attack_ratings": jax.random.normal(k3, (N_TEAMS,), dtype=jnp.float32) * 0.1,
        "defense_ratings": jax.random.normal(k4, (N_TEAMS,), dtype=jnp.float32) * 0.1,
        "home_advantage": jnp.float32(0.3),
    }

def reference(home_teams, away_teams, attack_ratings, defense_ratings, home_advantage):
    home_attack = jnp.take(attack_ratings, home_teams, axis=0)
    home_defense = jnp.take(defense_ratings, home_teams, axis=0)
    away_attack = jnp.take(attack_ratings, away_teams, axis=0)
    away_defense = jnp.take(defense_ratings, away_teams, axis=0)
    lambda_home = jnp.exp(home_attack - away_defense + home_advantage)
    lambda_away = jnp.exp(away_attack - home_defense)
    return (lambda_home, lambda_away)

if __name__ == "__main__":
    import jax
    _d = setup_inputs()
    print(jax.jit(kernel)(*tuple(_d.values())))

</pallas_src>

<mosaic_0001>
#map = affine_map<(d0, d1) -> (0)>
module attributes {stable_mosaic.version = 14 : i64} {
  func.func @_body(%arg0: i32, %arg1: i32, %arg2: memref<16384xi32, #tpu.memory_space<hbm>>, %arg3: memref<16384xi32, #tpu.memory_space<hbm>>, %arg4: memref<100000xf32, #tpu.memory_space<hbm>>, %arg5: memref<100000xf32, #tpu.memory_space<hbm>>, %arg6: memref<1xf32, #tpu.memory_space<hbm>>, %arg7: memref<16384xf32, #tpu.memory_space<hbm>>, %arg8: memref<16384xf32, #tpu.memory_space<hbm>>, %arg9: memref<512xi32, #tpu.memory_space<vmem>>, %arg10: memref<512xi32, #tpu.memory_space<vmem>>, %arg11: memref<512xf32, #tpu.memory_space<vmem>>, %arg12: memref<512xf32, #tpu.memory_space<vmem>>, %arg13: memref<512xf32, #tpu.memory_space<vmem>>, %arg14: memref<512xf32, #tpu.memory_space<vmem>>, %arg15: memref<512xf32, #tpu.memory_space<vmem>>, %arg16: memref<512xf32, #tpu.memory_space<vmem>>, %arg17: memref<16xf32, #tpu.memory_space<vmem>>, %arg18: memref<!tpu.dma_semaphore, #tpu.memory_space<semaphore_mem>>, %arg19: memref<!tpu.dma_semaphore, #tpu.memory_space<semaphore_mem>>, %arg20: memref<!tpu.dma_semaphore, #tpu.memory_space<semaphore_mem>>, %arg21: memref<!tpu.dma_semaphore, #tpu.memory_space<semaphore_mem>>, %arg22: memref<!tpu.dma_semaphore, #tpu.memory_space<semaphore_mem>>, %arg23: memref<!tpu.dma_semaphore, #tpu.memory_space<semaphore_mem>>) attributes {dimension_semantics = [#tpu.dimension_semantics<core_parallel>, #tpu.dimension_semantics<subcore_parallel>], iteration_bounds = array<i64: 2, 16>, scalar_prefetch = 0 : i64, scratch_operands = 15 : i64, tpu.core_type = #tpu.core_type<sc_vector_subcore>, window_params = [{transform_indices = #map}, {transform_indices = #map}, {transform_indices = #map}, {transform_indices = #map}, {transform_indices = #map}, {transform_indices = #map}, {transform_indices = #map}]} {
    %mul3A = arith.constant 2 : i32
    %mul3A_0 = arith.muli %arg1, %mul3A : i32
    %add3A = arith.addi %mul3A_0, %arg0 : i32
    %mul3A_1 = arith.constant 512 : i32
    %mul3A_2 = arith.muli %add3A, %mul3A_1 : i32
    %dma_start3A = tpu.memref_slice %arg2[%mul3A_2] : memref<16384xi32, #tpu.memory_space<hbm>> -> memref<512xi32, #tpu.memory_space<hbm>>
    %dma_start3A_3 = tpu.memref_slice %arg2[%mul3A_2] : memref<16384xi32, #tpu.memory_space<hbm>> -> memref<512xi32, #tpu.memory_space<hbm>>
    tpu.enqueue_dma source(%dma_start3A_3 : memref<512xi32, #tpu.memory_space<hbm>>) target(%arg9 : memref<512xi32, #tpu.memory_space<vmem>>) target_semaphore(%arg18 : memref<!tpu.dma_semaphore, #tpu.memory_space<semaphore_mem>>)
    %dma_start3A_4 = tpu.memref_slice %arg3[%mul3A_2] : memref<16384xi32, #tpu.memory_space<hbm>> -> memref<512xi32, #tpu.memory_space<hbm>>
    %dma_start3A_5 = tpu.memref_slice %arg3[%mul3A_2] : memref<16384xi32, #tpu.memory_space<hbm>> -> memref<512xi32, #tpu.memory_space<hbm>>
    tpu.enqueue_dma source(%dma_start3A_5 : memref<512xi32, #tpu.memory_space<hbm>>) target(%arg10 : memref<512xi32, #tpu.memory_space<vmem>>) target_semaphore(%arg19 : memref<!tpu.dma_semaphore, #tpu.memory_space<semaphore_mem>>)
    %dma_start3A_6 = arith.constant 0 : i32
    %dma_start3A_7 = tpu.memref_slice %arg17[%dma_start3A_6] : memref<16xf32, #tpu.memory_space<vmem>> -> memref<1xf32, #tpu.memory_space<vmem>>
    %dma_start3A_8 = arith.constant 0 : i32
    %dma_start3A_9 = tpu.memref_slice %arg17[%dma_start3A_8] : memref<16xf32, #tpu.memory_space<vmem>> -> memref<1xf32, #tpu.memory_space<vmem>>
    tpu.enqueue_dma source(%arg6 : memref<1xf32, #tpu.memory_space<hbm>>) target(%dma_start3A_9 : memref<1xf32, #tpu.memory_space<vmem>>) target_semaphore(%arg20 : memref<!tpu.dma_semaphore, #tpu.memory_space<semaphore_mem>>)
    %dma_wait3A = tpu.memref_slice %arg2[%mul3A_2] : memref<16384xi32, #tpu.memory_space<hbm>> -> memref<512xi32, #tpu.memory_space<hbm>>
    %dma_wait3A_10 = tpu.memref_slice %arg2[%mul3A_2] : memref<16384xi32, #tpu.memory_space<hbm>> -> memref<512xi32, #tpu.memory_space<hbm>>
    tpu.wait_dma2 semaphore(%arg18 : memref<!tpu.dma_semaphore, #tpu.memory_space<semaphore_mem>>) src(%dma_wait3A_10 : memref<512xi32, #tpu.memory_space<hbm>>) dst(%arg9 : memref<512xi32, #tpu.memory_space<vmem>>)
    %dma_start3A_11 = arith.constant 0 : i32
    %dma_start3A_12 = tpu.memref_slice %arg4[%dma_start3A_11] : memref<100000xf32, #tpu.memory_space<hbm>> -> memref<100000xf32, #tpu.memory_space<hbm>>
    tpu.enqueue_indirect_dma source(%dma_start3A_12 : memref<100000xf32, #tpu.memory_space<hbm>>) target(%arg11 : memref<512xf32, #tpu.memory_space<vmem>>) offsets(%arg9 : memref<512xi32, #tpu.memory_space<vmem>>) semaphore(%arg21 : memref<!tpu.dma_semaphore, #tpu.memory_space<semaphore_mem>>)
    %dma_wait3A_13 = tpu.memref_slice %arg3[%mul3A_2] : memref<16384xi32, #tpu.memory_space<hbm>> -> memref<512xi32, #tpu.memory_space<hbm>>
    %dma_wait3A_14 = tpu.memref_slice %arg3[%mul3A_2] : memref<16384xi32, #tpu.memory_space<hbm>> -> memref<512xi32, #tpu.memory_space<hbm>>
    tpu.wait_dma2 semaphore(%arg19 : memref<!tpu.dma_semaphore, #tpu.memory_space<semaphore_mem>>) src(%dma_wait3A_14 : memref<512xi32, #tpu.memory_space<hbm>>) dst(%arg10 : memref<512xi32, #tpu.memory_space<vmem>>)
    %dma_start3A_15 = arith.constant 0 : i32
    %dma_start3A_16 = tpu.memref_slice %arg5[%dma_start3A_15] : memref<100000xf32, #tpu.memory_space<hbm>> -> memref<100000xf32, #tpu.memory_space<hbm>>
    tpu.enqueue_indirect_dma source(%dma_start3A_16 : memref<100000xf32, #tpu.memory_space<hbm>>) target(%arg12 : memref<512xf32, #tpu.memory_space<vmem>>) offsets(%arg10 : memref<512xi32, #tpu.memory_space<vmem>>) semaphore(%arg21 : memref<!tpu.dma_semaphore, #tpu.memory_space<semaphore_mem>>)
    %dma_start3A_17 = arith.constant 0 : i32
    %dma_start3A_18 = tpu.memref_slice %arg4[%dma_start3A_17] : memref<100000xf32, #tpu.memory_space<hbm>> -> memref<100000xf32, #tpu.memory_space<hbm>>
    tpu.enqueue_indirect_dma source(%dma_start3A_18 : memref<100000xf32, #tpu.memory_space<hbm>>) target(%arg13 : memref<512xf32, #tpu.memory_space<vmem>>) offsets(%arg10 : memref<512xi32, #tpu.memory_space<vmem>>) semaphore(%arg22 : memref<!tpu.dma_semaphore, #tpu.memory_space<semaphore_mem>>)
    %dma_start3A_19 = arith.constant 0 : i32
    %dma_start3A_20 = tpu.memref_slice %arg5[%dma_start3A_19] : memref<100000xf32, #tpu.memory_space<hbm>> -> memref<100000xf32, #tpu.memory_space<hbm>>
    tpu.enqueue_indirect_dma source(%dma_start3A_20 : memref<100000xf32, #tpu.memory_space<hbm>>) target(%arg14 : memref<512xf32, #tpu.memory_space<vmem>>) offsets(%arg9 : memref<512xi32, #tpu.memory_space<vmem>>) semaphore(%arg22 : memref<!tpu.dma_semaphore, #tpu.memory_space<semaphore_mem>>)
    %dma_wait3A_21 = arith.constant 0 : i32
    %dma_wait3A_22 = tpu.memref_slice %arg17[%dma_wait3A_21] : memref<16xf32, #tpu.memory_space<vmem>> -> memref<1xf32, #tpu.memory_space<vmem>>
    %dma_wait3A_23 = arith.constant 0 : i32
    %dma_wait3A_24 = tpu.memref_slice %arg17[%dma_wait3A_23] : memref<16xf32, #tpu.memory_space<vmem>> -> memref<1xf32, #tpu.memory_space<vmem>>
    tpu.wait_dma2 semaphore(%arg20 : memref<!tpu.dma_semaphore, #tpu.memory_space<semaphore_mem>>) src(%arg6 : memref<1xf32, #tpu.memory_space<hbm>>) dst(%dma_wait3A_24 : memref<1xf32, #tpu.memory_space<vmem>>)
    %get3A = arith.constant 0 : index
    %get3A_25 = tpu.vector_load %arg17[%get3A] {strides = array<i32>} : memref<16xf32, #tpu.memory_space<vmem>>, vector<16xf32>,
    %get3A_26 = vector.shape_cast %get3A_25 : vector<16xf32> to vector<16xf32>
    %slice3A = vector.extract_strided_slice %get3A_26 {offsets = [0], sizes = [1], strides = [1]} : vector<16xf32> to vector<1xf32>
    %squeeze3A = vector.extract %slice3A[0] : f32 from vector<1xf32>
    %broadcast_in_dim3A = vector.broadcast %squeeze3A : f32 to vector<16xf32>
    %dma_wait3A_27 = arith.constant 0 : i32
    %dma_wait3A_28 = tpu.memref_slice %arg4[%dma_wait3A_27] : memref<100000xf32, #tpu.memory_space<hbm>> -> memref<100000xf32, #tpu.memory_space<hbm>>
    tpu.wait_indirect_dma semaphore(%arg21 : memref<!tpu.dma_semaphore, #tpu.memory_space<semaphore_mem>>) src(%dma_wait3A_28 : memref<100000xf32, #tpu.memory_space<hbm>>) dst(%arg11 : memref<512xf32, #tpu.memory_space<vmem>>)
    %dma_wait3A_29 = arith.constant 0 : i32
    %dma_wait3A_30 = tpu.memref_slice %arg5[%dma_wait3A_29] : memref<100000xf32, #tpu.memory_space<hbm>> -> memref<100000xf32, #tpu.memory_space<hbm>>
    tpu.wait_indirect_dma semaphore(%arg21 : memref<!tpu.dma_semaphore, #tpu.memory_space<semaphore_mem>>) src(%dma_wait3A_30 : memref<100000xf32, #tpu.memory_space<hbm>>) dst(%arg12 : memref<512xf32, #tpu.memory_space<vmem>>)
    %scan3A = arith.constant 0 : i32
    %scan3A_31 = arith.constant 0 : i32
    %scan3A_32 = arith.constant 32 : i32
    %scan3A_33 = arith.addi %scan3A_31, %scan3A_32 : i32
    %scan3A_34 = arith.constant 1 : i32
    scf.for %scan3A_54 = %scan3A_31 to %scan3A_33 step %scan3A_34  : i32 {
      %mul3A_55 = arith.constant 16 : i32
      %mul3A_56 = arith.muli %scan3A_54, %mul3A_55 : i32
      %get3A_57 = arith.index_cast %mul3A_56 : i32 to index
      %get3A_58 = tpu.vector_load %arg11[%get3A_57] {strides = array<i32>} : memref<512xf32, #tpu.memory_space<vmem>>, vector<16xf32>,
      %get3A_59 = vector.shape_cast %get3A_58 : vector<16xf32> to vector<16xf32>
      %get3A_60 = arith.index_cast %mul3A_56 : i32 to index
      %get3A_61 = tpu.vector_load %arg12[%get3A_60] {strides = array<i32>} : memref<512xf32, #tpu.memory_space<vmem>>, vector<16xf32>,
      %get3A_62 = vector.shape_cast %get3A_61 : vector<16xf32> to vector<16xf32>
      %sub3A = arith.subf %get3A_59, %get3A_62 : vector<16xf32>
      %add3A_63 = arith.addf %sub3A, %broadcast_in_dim3A : vector<16xf32>
      %exp3A = math.exp %add3A_63 : vector<16xf32>
      %swap3A = arith.index_cast %mul3A_56 : i32 to index
      %swap3A_64 = tpu.vector_load %arg15[%swap3A] {strides = array<i32>} : memref<512xf32, #tpu.memory_space<vmem>>, vector<16xf32>,
      %swap3A_65 = vector.shape_cast %swap3A_64 : vector<16xf32> to vector<16xf32>
      %swap3A_66 = vector.shape_cast %exp3A : vector<16xf32> to vector<16xf32>
      tpu.vector_store %arg15[%swap3A], %swap3A_66 {strides = array<i32>} : memref<512xf32, #tpu.memory_space<vmem>>, vector<16xf32>,
    }
    %scan3A_35 = arith.constant 32 : i32
    %dma_start3A_36 = tpu.memref_slice %arg7[%mul3A_2] : memref<16384xf32, #tpu.memory_space<hbm>> -> memref<512xf32, #tpu.memory_space<hbm>>
    %dma_start3A_37 = tpu.memref_slice %arg7[%mul3A_2] : memref<16384xf32, #tpu.memory_space<hbm>> -> memref<512xf32, #tpu.memory_space<hbm>>
    tpu.enqueue_dma source(%arg15 : memref<512xf32, #tpu.memory_space<vmem>>) target(%dma_start3A_37 : memref<512xf32, #tpu.memory_space<hbm>>) target_semaphore(%arg23 : memref<!tpu.dma_semaphore, #tpu.memory_space<semaphore_mem>>)
    %dma_wait3A_38 = arith.constant 0 : i32
    %dma_wait3A_39 = tpu.memref_slice %arg4[%dma_wait3A_38] : memref<100000xf32, #tpu.memory_space<hbm>> -> memref<100000xf32, #tpu.memory_space<hbm>>
    tpu.wait_indirect_dma semaphore(%arg22 : memref<!tpu.dma_semaphore, #tpu.memory_space<semaphore_mem>>) src(%dma_wait3A_39 : memref<100000xf32, #tpu.memory_space<hbm>>) dst(%arg13 : memref<512xf32, #tpu.memory_space<vmem>>)
    %dma_wait3A_40 = arith.constant 0 : i32
    %dma_wait3A_41 = tpu.memref_slice %arg5[%dma_wait3A_40] : memref<100000xf32, #tpu.memory_space<hbm>> -> memref<100000xf32, #tpu.memory_space<hbm>>
    tpu.wait_indirect_dma semaphore(%arg22 : memref<!tpu.dma_semaphore, #tpu.memory_space<semaphore_mem>>) src(%dma_wait3A_41 : memref<100000xf32, #tpu.memory_space<hbm>>) dst(%arg14 : memref<512xf32, #tpu.memory_space<vmem>>)
    %scan3A_42 = arith.constant 0 : i32
    %scan3A_43 = arith.constant 0 : i32
    %scan3A_44 = arith.constant 32 : i32
    %scan3A_45 = arith.addi %scan3A_43, %scan3A_44 : i32
    %scan3A_46 = arith.constant 1 : i32
    scf.for %scan3A_54 = %scan3A_43 to %scan3A_45 step %scan3A_46  : i32 {
      %mul3A_55 = arith.constant 16 : i32
      %mul3A_56 = arith.muli %scan3A_54, %mul3A_55 : i32
      %get3A_57 = arith.index_cast %mul3A_56 : i32 to index
      %get3A_58 = tpu.vector_load %arg13[%get3A_57] {strides = array<i32>} : memref<512xf32, #tpu.memory_space<vmem>>, vector<16xf32>,
      %get3A_59 = vector.shape_cast %get3A_58 : vector<16xf32> to vector<16xf32>
      %get3A_60 = arith.index_cast %mul3A_56 : i32 to index
      %get3A_61 = tpu.vector_load %arg14[%get3A_60] {strides = array<i32>} : memref<512xf32, #tpu.memory_space<vmem>>, vector<16xf32>,
      %get3A_62 = vector.shape_cast %get3A_61 : vector<16xf32> to vector<16xf32>
      %sub3A = arith.subf %get3A_59, %get3A_62 : vector<16xf32>
      %exp3A = math.exp %sub3A : vector<16xf32>
      %swap3A = arith.index_cast %mul3A_56 : i32 to index
      %swap3A_63 = tpu.vector_load %arg16[%swap3A] {strides = array<i32>} : memref<512xf32, #tpu.memory_space<vmem>>, vector<16xf32>,
      %swap3A_64 = vector.shape_cast %swap3A_63 : vector<16xf32> to vector<16xf32>
      %swap3A_65 = vector.shape_cast %exp3A : vector<16xf32> to vector<16xf32>
      tpu.vector_store %arg16[%swap3A], %swap3A_65 {strides = array<i32>} : memref<512xf32, #tpu.memory_space<vmem>>, vector<16xf32>,
    }
    %scan3A_47 = arith.constant 32 : i32
    %dma_start3A_48 = tpu.memref_slice %arg8[%mul3A_2] : memref<16384xf32, #tpu.memory_space<hbm>> -> memref<512xf32, #tpu.memory_space<hbm>>
    %dma_start3A_49 = tpu.memref_slice %arg8[%mul3A_2] : memref<16384xf32, #tpu.memory_space<hbm>> -> memref<512xf32, #tpu.memory_space<hbm>>
    tpu.enqueue_dma source(%arg16 : memref<512xf32, #tpu.memory_space<vmem>>) target(%dma_start3A_49 : memref<512xf32, #tpu.memory_space<hbm>>) target_semaphore(%arg23 : memref<!tpu.dma_semaphore, #tpu.memory_space<semaphore_mem>>)
    %dma_wait3A_50 = tpu.memref_slice %arg7[%mul3A_2] : memref<16384xf32, #tpu.memory_space<hbm>> -> memref<512xf32, #tpu.memory_space<hbm>>
    %dma_wait3A_51 = tpu.memref_slice %arg7[%mul3A_2] : memref<16384xf32, #tpu.memory_space<hbm>> -> memref<512xf32, #tpu.memory_space<hbm>>
    tpu.wait_dma2 semaphore(%arg23 : memref<!tpu.dma_semaphore, #tpu.memory_space<semaphore_mem>>) src(%arg15 : memref<512xf32, #tpu.memory_space<vmem>>) dst(%dma_wait3A_51 : memref<512xf32, #tpu.memory_space<hbm>>)
    %dma_wait3A_52 = tpu.memref_slice %arg8[%mul3A_2] : memref<16384xf32, #tpu.memory_space<hbm>> -> memref<512xf32, #tpu.memory_space<hbm>>
    %dma_wait3A_53 = tpu.memref_slice %arg8[%mul3A_2] : memref<16384xf32, #tpu.memory_space<hbm>> -> memref<512xf32, #tpu.memory_space<hbm>>
    tpu.wait_dma2 semaphore(%arg23 : memref<!tpu.dma_semaphore, #tpu.memory_space<semaphore_mem>>) src(%arg16 : memref<512xf32, #tpu.memory_space<vmem>>) dst(%dma_wait3A_53 : memref<512xf32, #tpu.memory_space<hbm>>)
    return
  }
}

</mosaic_0001>

<sc_bundles>
// kernel: kernel.3.cloned.1.call-start
scs
__scs_entry_jumppad:
0x0: {  	(pc) =	sbr.rel $0x88, $3  }
0x1: {  	(tag) =	ssettag $0x0;
	lr =	simm.s32 $0x1  }
0x2: {  	[smem:$0x3F9C] =	sst lr;
	_ =	strace $0xD0000000  }
0x3: {  	_ = 	snop  }
0x4: {  	_ = 	snop  }
0x5: {  	_ = 	snop  }
0x6: {  	_ = 	snop  }
0x7: {  	_ = 	snop  }
__scs_overlays_trampoline_lowered:
0x8: {  	[smem:$0x3FAB] =	sst s0  }
0x9: {  	[smem:$0x3FAC] =	sst s1  }
0xa: {  	[smem:$0x3FAD] =	sst s2  }
0xb: {  	[smem:$0x3FAE] =	sst s3  }
0xc: {  	[smem:$0x3FAF] =	sst s4  }
0xd: {  	[smem:$0x3FB0] =	sst s5  }
0xe: {  	[smem:$0x3FB1] =	sst s6  }
0xf: {  	[smem:$0x3FB2] =	sst s7  }
0x10: {  	[smem:$0x3FB3] =	sst s8  }
0x11: {  	[smem:$0x3FB4] =	sst s9;
	s0 =	simm.s32 @!p0 $0x0  }
0x12: {  	s1 =	sld [smem:$0x3F9A];
	s0 =	simm.s32 @p0 $0x1  }
0x13: {  	[smem:$0x3FB5] =	sst s0;
	s0 =	simm.s32 @!p1 $0x0  }
0x14: {  	s2 =	sld [smem:$0x3F99];
	s0 =	simm.s32 @p1 $0x1  }
0x15: {  	[smem:$0x3FB6] =	sst s0;
	s0 =	simm.s32 @!p2 $0x0  }
0x16: {  	s3 =	sld [smem:$0x3FDB];
	s0 =	simm.s32 @p2 $0x1  }
0x17: {  	s4 =	simm.s32 $0x1BF5;
	[smem:$0x3FB8] =	sst s0  }
0x18: {  	s0 =	sld [smem:$0x3F9B];
	_ =	swait.ge [sflag:s4], $0x0  }
0x19: {  	s7 =	sld [smem:$0x3F9C]  }
0x1a: {  	s8 =	sadd.s32 $0xFFFFE003, lr  }
0x1b: {  	s9 =	sadd.s32 $0xFFFFFEF7, lr;
	s5 =	simm.s32 $0xFFFFFFFF;
	p2 =	slt.u32 s8, $0xFFFFF086  }
0x1c: {  	p1 =	slt.u32 s9, $0xF7A;
	s5 =	simm.s32 @!p2 $0x0  }
0x1d: {  	s5 =	simm.s32 @p1 $0x1;
	p0 =	seq.s32 s7, s2  }
0x1e: {  	s7 =	smul.u32 @!p0 $0xF7A, s2;
	p2 =	seq.s32 @!p0 s5, $0x0  }
0x1f: {  	s9 =	smul.u32 $0xF7A, s1;
	s8 =	simm.s32 @!p0 $0x1BF5;
	p2 =	por !p2, p0  }
0x20: {  	[sflag:s8] =	ssyncset.s32 @!p0 $0xFFFFF086;
	s6 =	sadd.s32 @!p0 s3, s7;
	s7 =	simm.s32 @!p0 $0x108  }
0x21: {  	s3 =	sadd.s32 s3, s9;
	s6 =	sadd.s32 @!p0 $0x88, s6;
	s7 =	simm.s32 @p2 $0x1082  }
0x22: {  	[simem:s7], [sflag:s8] =	dma.local @!p0 [hbm:s6], $0xF7A  }
0x23: {  	s9 =	sor.u32 $0xD0000000, s2;
	s6 =	simm.s32 $0x108;
	_ =	swait.ge @!p0 [sflag:s8], $0x0  }
0x24: {  	s3 =	sadd.s32 $0x88, s3;
	s6 =	simm.s32 @!p1 $0x1082;
	[sflag:s4] =	ssyncset.s32 $0xFFFFF086  }
0x25: {  	[simem:s6], [sflag:s4] =	dma.local [hbm:s3], $0xF7A  }
0x26: {  	[smem:$0x3F9C] =	sst s1;
	(tag) =	ssettag s2;
	_ =	strace s9  }
0x27: {  	s1 =	sld [smem:$0x3FAC]  }
0x28: {  	s2 =	sld [smem:$0x3FAD]  }
0x29: {  	s4 =	sld [smem:$0x3FAF]  }
0x2a: {  	p0 =	seq.s32 s5, $0x0;
	s5 =	sld [smem:$0x3FB0]  }
0x2b: {  	s6 =	sld [smem:$0x3FB1]  }
0x2c: {  	s7 =	sld [smem:$0x3FB2]  }
0x2d: {  	s3 =	simm.s32 $0x108;
	s8 =	sld [smem:$0x3FB3]  }
0x2e: {  	s3 =	simm.s32 @!p0 $0x1082;
	s9 =	sld [smem:$0x3FB4]  }
0x2f: {  	lr =	sadd.s32 s0, s3;
	s0 =	sld [smem:$0x3FAB]  }
0x30: {  	s3 =	sld [smem:$0x3FAE]  }
0x31: {  	[smem:$0x3FB7] =	sst s10  }
0x32: {  	s10 =	sld [smem:$0x3FB5];
	_ =	sdelay $0x3  }
0x33: {  	p0 =	seq.s32 s10, $0x1;
	s10 =	sld [smem:$0x3FB7];
	_ =	sdelay $0x3  }
0x34: {  	[smem:$0x3FB7] =	sst s10  }
0x35: {  	s10 =	sld [smem:$0x3FB6];
	_ =	sdelay $0x3  }
0x36: {  	p1 =	seq.s32 s10, $0x1;
	s10 =	sld [smem:$0x3FB7];
	_ =	sdelay $0x3  }
0x37: {  	[smem:$0x3FB7] =	sst s10  }
0x38: {  	s10 =	sld [smem:$0x3FB8]  }
0x39: {  	_ = 	snop;
	(pc) =	sbr.ind lr, $3  }
0x3a: {  	_ = 	snop  }
0x3b: {  	_ = 	snop  }
0x3c: {  	p2 =	seq.s32 s10, $0x1;
	s10 =	sld [smem:$0x3FB7]  }
0x3d: {  	_ =	shalt  }
0x3e: {  	_ =	shalt  }
0x3f: {  	_ =	shalt  }
0x40: {  	_ =	shalt  }
0x41: {  	_ =	shalt  }
0x42: {  	_ =	shalt  }
0x43: {  	_ =	shalt  }
0x44: {  	_ =	shalt  }
0x45: {  	_ =	shalt  }
0x46: {  	_ =	shalt  }
0x47: {  	_ =	shalt  }
0x48: {  	_ =	shalt  }
0x49: {  	_ =	shalt  }
0x4a: {  	_ =	shalt  }
0x4b: {  	_ =	shalt  }
0x4c: {  	_ =	shalt  }
0x4d: {  	_ =	shalt  }
0x4e: {  	_ =	shalt  }
0x4f: {  	_ =	shalt  }
0x50: {  	_ =	shalt  }
0x51: {  	_ =	shalt  }
0x52: {  	_ =	shalt  }
0x53: {  	_ =	shalt  }
0x54: {  	_ =	shalt  }
0x55: {  	_ =	shalt  }
0x56: {  	_ =	shalt  }
0x57: {  	_ =	shalt  }
0x58: {  	_ =	shalt  }
0x59: {  	_ =	shalt  }
0x5a: {  	_ =	shalt  }
0x5b: {  	_ =	shalt  }
0x5c: {  	_ =	shalt  }
0x5d: {  	_ =	shalt  }
0x5e: {  	_ =	shalt  }
0x5f: {  	_ =	shalt  }
0x60: {  	_ =	shalt  }
0x61: {  	_ =	shalt  }
0x62: {  	_ =	shalt  }
0x63: {  	_ =	shalt  }
0x64: {  	_ =	shalt  }
0x65: {  	_ =	shalt  }
0x66: {  	_ =	shalt  }
0x67: {  	_ =	shalt  }
0x68: {  	_ =	shalt  }
0x69: {  	_ =	shalt  }
0x6a: {  	_ =	shalt  }
0x6b: {  	_ =	shalt  }
0x6c: {  	_ =	shalt  }
0x6d: {  	_ =	shalt  }
0x6e: {  	_ =	shalt  }
0x6f: {  	_ =	shalt  }
0x70: {  	_ =	shalt  }
0x71: {  	_ =	shalt  }
0x72: {  	_ =	shalt  }
0x73: {  	_ =	shalt  }
0x74: {  	_ =	shalt  }
0x75: {  	_ =	shalt  }
0x76: {  	_ =	shalt  }
0x77: {  	_ =	shalt  }
0x78: {  	_ =	shalt  }
0x79: {  	_ =	shalt  }
0x7a: {  	_ =	shalt  }
0x7b: {  	_ =	shalt  }
0x7c: {  	_ =	shalt  }
0x7d: {  	_ =	shalt  }
0x7e: {  	_ =	shalt  }
0x7f: {  	_ =	shalt  }
0x80: {  	_ =	shalt  }
0x81: {  	_ =	shalt  }
0x82: {  	_ =	shalt  }
0x83: {  	_ =	shalt  }
0x84: {  	_ =	shalt  }
0x85: {  	_ =	shalt  }
0x86: {  	_ =	shalt  }
0x87: {  	_ =	shalt  }
.Lfunc_end0:
.L_simem_size_0:
called_computation_lowered:
.L_overlay_start_0:
0x88: {  	s2 =	sld [smem:$0x3FD9]  }
0x89: {  	s3 =	sld [smem:$0x3FFE];
	_ =	sdelay $0x1  }
0x8a: {  	s1 =	srdreg.scid  }
0x8b: {  	s0 =	sand.u32 $0x1, s1  }
0x8c: {  	s15 =	sshll.u32 s0, $0xA;
	s2 =	sadd.s32 s3, s2  }
0x8d: {  	s2 =	sadd.s32 s2, s15  }
0x8e: {  	[smem:$0x3FC3] =	sst s2  }
0x8f: {  	_ = 	snop  }
0x90: {  	s2 =	sld [smem:$0x3FC9]  }
0x91: {  	s16 =	sld [smem:$0x3FC8]  }
0x92: {  	s4 =	sld [smem:$0x3FD0]  }
0x93: {  	s5 =	sld [smem:$0x3FC7]  }
0x94: {  	s6 =	sld [smem:$0x3FC6]  }
0x95: {  	s8 =	simm.s32 $0xA;
	s9 =	simm.s32 $0x10;
	s7 =	sld [smem:$0x3FC5]  }
0x96: {  	[smem:s9], [sflag:s8] =	dma.local [hbm:s4], $0x1  }
0x97: {  	_ =	swait.eq [sflag:s8], $0x1  }
0x98: {  	[sflag:s8] =	ssyncset.done $0x0  }
0x99: {  	s17 =	sld [smem:$0x10];
	[sflag:s8] =	ssyncadd.s32 $0xFFFFFFFF  }
0x9a: {  	s18 =	sld [smem:$0x11];
	(tm) =	ssettm $0x1  }
0x9b: {  	s19 =	sld [smem:$0x3FFB];
	_ =	sdelay $0x3  }
0x9c: {  	_ =	strace s19  }
0x9d: {  	s9 =	sld [smem:$0x3FFC];
	_ =	sdelay $0x3  }
0x9e: {  	_ =	strace s9  }
0x9f: {  	s9 =	sld [smem:$0x3FFD];
	_ =	sdelay $0x3  }
0xa0: {  	_ =	strace s9  }
0xa1: {  	_ =	strace $0x8FFFFFFF  }
0xa2: {  	s20 =	sld [smem:$0x3FDB];
	_ =	sdelay $0x1  }
0xa3: {  	s10 =	simm.s32 $_scs_section_size  }
0xa4: {  	s11 =	simm.s32 $_size__tile_overlayer_lowered;
	s12 =	simm.s32 $_tile_overlayer_lowered  }
0xa5: {  	s23 =	simm.s32 $0x1BFF;
	s22 =	sshll.u32 s12, $0x1;
	s9 =	sadd.s32 s10, s20  }
0xa6: {  	s13 =	simm.s32 $0x0;
	s21 =	sshll.u32 s11, $0x1;
	s11 =	sadd.s32 s22, s9  }
0xa7: {  	[timem:s13], [sflag:s23] =	dma.local [hbm:s11], s21  }
0xa8: {  	_ =	swait.ge [sflag:s23], s21  }
0xa9: {  	s10 =	ssub.s32 $0x0, s21;
	[sflag:s23] =	ssyncset.done $0x0  }
0xaa: {  	[sflag:s23] =	ssyncadd.s32 s10;
	_ =	sdelay $0x1  }
0xab: {  	s24 =	simm.s32 $0x1B8B  }
0xac: {  	_ =	swait.ge [sflag:s24], $0x1  }
0xad: {  	[sflag:s24] =	ssyncset.done $0x0  }
0xae: {  	s25 =	simm.s32 $0x1B8E;
	[sflag:s24] =	ssyncadd.s32 $0xFFFFFFFF  }
0xaf: {  	s26 =	simm.s32 $execute0_lowered;
	[smem:$0x3FD2] =	sst s25  }
0xb0: {  	s10 =	sshll.u32 s26, $0x1;
	_ =	strace $0x80000046;
	[dreg:$0x1] =	wrdreg $0xFFFFFFFF  }
0xb1: {  	s28 =	simm.s32 $_size_execute0_lowered;
	s9 =	sadd.s32 s9, s10;
	[dreg:$0x0] =	wrdreg $0x0  }
0xb2: {  	s10 =	sshll.u32 s28, $0x1;
	[dreg:$0x2] =	wrdreg s9  }
0xb3: {  	[dreg:$0x3] =	wrdreg s10  }
0xb4: {  	[dreg:$0x4] =	wrdreg $0xC0  }
0xb5: {  	_ =	task [dreg:s13], $0x5FFFF  }
0xb6: {  	[dreg:$0x1] =	wrdreg $0xFFFFFFFF  }
0xb7: {  	[dreg:$0x0] =	wrdreg $0x60  }
0xb8: {  	[dreg:$0x2] =	wrdreg s2  }
0xb9: {  	[dreg:$0x3] =	wrdreg s16  }
0xba: {  	[dreg:$0x4] =	wrdreg s5  }
0xbb: {  	[dreg:$0x5] =	wrdreg s6  }
0xbc: {  	[dreg:$0x6] =	wrdreg s7  }
0xbd: {  	[dreg:$0x7] =	wrdreg s17  }
0xbe: {  	[dreg:$0x8] =	wrdreg s18  }
0xbf: {  	[dreg:$0x9] =	wrdreg $0x9  }
0xc0: {  	_ =	task.clear_ibuf [dreg:s13], $0xAFFFF;
	_ =	strace $0x90000046  }
0xc1: {  	s29 =	simm.s32 $0x9;
	_ =	strace $0x80000048  }
0xc2: {  	_ =	swait.ge [sflag:s29], $0x1  }
0xc3: {  	[sflag:s29] =	ssyncadd.s32 $0xFFFFFFFF  }
0xc4: {  	_ =	strace $0x90000048  }
0xc5: {  	_ =	sfence  }
0xc6: {  	s30 =	sld [smem:$0x0];
	_ =	sdelay $0x2  }
0xc7: {  	s31 =	sshll.u32 s1, $0xD;
	s1 =	sshrl.u32 s1, $0x2  }
0xc8: {  	s3 =	sand.u32 $0x4000, s31;
	s1 =	sadd.s32 s1, s30  }
0xc9: {  	s0 =	sor.u32 s3, s0;
	s1 =	sshll.u32 s1, $0x11  }
0xca: {  	s0 =	sor.u32 s1, s0  }
0xcb: {  	s0 =	sadd.s32 $0x8F2B, s0  }
0xcc: {  	[sflag:s0] =	ssyncadd.remote.s32 $0x1  }
0xcd: {  	_ =	sfence.sel $0xFFFF  }
0xce: {  	[dreg:$0x0] =	wrdreg $0xFFFFFFFF;
	(pc) =	sbr.abs _section_cstart, $3  }
0xcf: {  	[dreg:$0x1] =	wrdreg $0xFFFFFFFF  }
0xd0: {  	_ =	task.clear_ibuf [dreg:s13], $0x2FFFF;
	_ =	strace $0x9FFFFFFF  }
0xd1: {  	(tm) =	ssettm $0x7FFFFFFF  }
tec
execute0_lowered:
.L_overlay_start_1:
0x0: {  	(tag) =	ssettag $0x1  }
0x1: {  	s6 =	rddreg [dreg:$0x0]  }
0x2: {  	s7 =	rddreg [dreg:$0x1]  }
0x3: {  	s1 =	rddreg [dreg:$0x2]  }
0x4: {  	s2 =	rddreg [dreg:$0x3]  }
0x5: {  	s3 =	rddreg [dreg:$0x4]  }
0x6: {  	s8 =	rddreg [dreg:$0x5]  }
0x7: {  	s9 =	rddreg [dreg:$0x6]  }
0x8: {  	s0 =	rddreg [dreg:$0x7];
	s5 =	simm.s32 $0x0;
	s10 =	srdreg.scid  }
0x9: {  	s4 =	stileid.u32;
	s14 =	simm.s32 $0x400;
	s15 =	simm.s32 $0x2  }
0xa: {  	s16 =	simm.s32 $0x600;
	s17 =	simm.s32 $0x800;
	s18 =	simm.s32 $0xA00  }
0xb: {  	s19 =	simm.s32 $0x3;
	s20 =	simm.s32 $0x4;
	s21 =	simm.s32 $0xC00  }
0xc: {  	s22 =	simm.s32 $0x5;
	s23 =	simm.s32 $0xE00;
	s24 =	simm.s32 $0x6  }
0xd: {  	s25 =	simm.s32 $0x0;
	[smem:$0x7FF] =	sst s5;
	s10 =	sand.u32 $0x1, s10  }
0xe: {  	s12 =	sshll.u32 s4, $0x7;
	s11 =	ssub.s32 $0x2, s10;
	s10 =	sshll.u32 s10, $0x6  }
0xf: {  	_ =	strace $0x80000047;
	s13 =	sshrl.u32 s11, $0x1;
	s10 =	sor.u32 s10, s12  }
0x10: {  	s12 =	simm.s32 $0x1000;
	s11 =	ssub.s32 s11, s13;
	s6 =	sadd.s32 s6, s10  }
0x11: {  	s7 =	sadd.s32 s7, s10;
	s8 =	sadd.s32 s8, s10;
	s9 =	sadd.s32 s9, s10  }
0x12: {  	s13 =	simm.s32 $0x1;
	s10 =	smax.u32 s11, $0x1;
	s11 =	simm.s32 $0x200  }
.LBB2_1:
0x13: {  	[tilespmem:s5], [sflag:$0x1] =	stream.linear.gather [hbm4b:s6+s5], $0x200, $0x38;
	[tilespmem:$0x1080] =	vst v63  }
0x14: {  	_ = 	snop  }
0x15: {  	[tilespmem:s11], [sflag:$0x2] =	stream.linear.gather [hbm4b:s7+s5], $0x200, $0x38;
	[tilespmem:$0x1080] =	vst v63  }
0x16: {  	_ = 	snop  }
0x17: {  	[tilespmem:s12], [sflag:$0x3] =	stream.linear.gather [hbm4b:s3+s5], $0x1, $0x38;
	[tilespmem:$0x1080] =	vst v63  }
0x18: {  	_ =	swait.ge [sflag:s13], $0x200  }
0x19: {  	[sflag:s13] =	ssyncset.done $0x0  }
0x1a: {  	[sflag:s13] =	ssyncadd.s32 $0xFFFFFE00  }
0x1b: {  	[tilespmem:s14], [sflag:$0x4] =	stream.indirect.gather [hbm4b:s1+s11], $0x1, s5, s11, $0xb8;
	[tilespmem:$0x1080] =	vst v63  }
0x1c: {  	_ =	swait.ge [sflag:s15], $0x200  }
0x1d: {  	[sflag:s15] =	ssyncset.done $0x0  }
0x1e: {  	[sflag:s15] =	ssyncadd.s32 $0xFFFFFE00  }
0x1f: {  	[tilespmem:s16], [sflag:$0x4] =	stream.indirect.gather [hbm4b:s2+s11], $0x1, s11, s11, $0xb8;
	[tilespmem:$0x1080] =	vst v63  }
0x20: {  	_ = 	snop  }
0x21: {  	[tilespmem:s17], [sflag:$0x5] =	stream.indirect.gather [hbm4b:s1+s11], $0x1, s11, s11, $0xb8;
	[tilespmem:$0x1080] =	vst v63  }
0x22: {  	_ = 	snop  }
0x23: {  	[tilespmem:s18], [sflag:$0x5] =	stream.indirect.gather [hbm4b:s2+s11], $0x1, s5, s11, $0xb8;
	[tilespmem:$0x1080] =	vst v63  }
0x24: {  	_ =	swait.ge [sflag:s19], $0x1  }
0x25: {  	[sflag:s19] =	ssyncset.done $0x0  }
0x26: {  	[sflag:s19] =	ssyncadd.s32 $0xFFFFFFFF  }
0x27: {  	v0 =	vld.msk [tilespmem:$0x1000 ss:$0x0], $0xffff;
	_ =	swait.ge [sflag:s20], $0x200  }
0x28: {  	[sflag:s20] =	ssyncset.done $0x0  }
0x29: {  	[sflag:s20] =	ssyncadd.s32 $0xFFFFFE00  }
0x2a: {  	_ =	swait.ge [sflag:s20], $0x200  }
0x2b: {  	[sflag:s20] =	ssyncset.done $0x0  }
0x2c: {  	s26 =	simm.s32 $0x0;
	[sflag:s20] =	ssyncadd.s32 $0xFFFFFE00  }
0x2d: {  	v1 =	vld [tilespmem:s26+$0x400]  }
0x2e: {  	v2 =	vld [tilespmem:s26+$0x600];
	_ =	sdelay $0x1  }
0x2f: {  	s28 =	simm.s32 $0x10  }
0x30: {  	v3 =	vld [tilespmem:s28+$0x400]  }
0x31: {  	v4 =	vld [tilespmem:s28+$0x600]  }
0x32: {  	v1 =	vsub.f32 v1, v2;
	_ =	sdelay $0x1  }
0x33: {  	v1 =	vadd.f32 v1, v0;
	_ =	sdelay $0x1  }
0x34: {  	v2 =	vsub.f32 v3, v4;
	v3 =	vmul.f32 $1.442695020e+00, v1  }
0x35: {  	s29 =	simm.s32 $0x20  }
0x36: {  	v4 =	vadd.f32 v2, v0;
	v2 =	vld [tilespmem:s29+$0x600];
	(erf) = vpow2.f32 v3  }
0x37: {  	v1 =	vld [tilespmem:s29+$0x400];
	_ =	sdelay $0x2  }
0x38: {  	s30 =	simm.s32 $0xC0;
	v3 =	vmul.f32 $1.442695020e+00, v4  }
.LBB2_2:
0x39: {  	s31 =	sshra.s32 s30, $0x2;
	p0 =	sne.s32 s30, $0x7C0  }
.Ltmp0:
0x3a: {  	s30 =	sadd.s32 $0x40, s30;
	v5 =	vsub.f32 v1, v2;
	v1 =	vld [tilespmem:s31+$0x400];
	(erf) = vpow2.f32 v3;
	(pc) =	sbr.rel @p0 .LBB2_2-.Ltmp0, $4  }
0x3b: {  	v2 =	vld [tilespmem:s31+$0x600]  }
0x3c: {  	v3 =	vadd.f32 v5, v0  }
0x3d: {  	v4 =	vpop (erf)  }
0x3e: {  	v3 =	vmul.f32 $1.442695020e+00, v3;
	[tilespmem:s26+$0xC00] =	vst v4;
	s26 =	smov.u32 s28;
	s28 =	smov.u32 s29;
	s29 =	smov.u32 s31  }
0x3f: {  	_ = 	snop  }
0x40: {  	v1 =	vsub.f32 v1, v2;
	_ =	sdelay $0x1  }
0x41: {  	v0 =	vadd.f32 v1, v0;
	_ =	sdelay $0x1  }
0x42: {  	v0 =	vmul.f32 $1.442695020e+00, v0  }
0x43: {  	(erf) = vpow2.f32 v3  }
0x44: {  	(erf) = vpow2.f32 v0;
	_ =	sdelay $0x6  }
0x45: {  	v0 =	vpop (erf)  }
0x46: {  	[tilespmem:s26+$0xC00] =	vst v0;
	v0 =	vpop (erf)  }
0x47: {  	[tilespmem:s28+$0xC00] =	vst v0;
	v0 =	vpop (erf)  }
0x48: {  	s31 =	simm.s32 $0x0;
	[tilespmem:s29+$0xC00] =	vst v0  }
0x49: {  	[hbm4b:s8+s31] =	stream.linear.scatter [tilespmem:s21], [sflag:$0x6], $0x200, $0x38;
	[tilespmem:$0x1080] =	vst v63  }
0x4a: {  	_ =	swait.ge [sflag:s22], $0x200  }
0x4b: {  	[sflag:s22] =	ssyncset.done $0x0  }
0x4c: {  	[sflag:s22] =	ssyncadd.s32 $0xFFFFFE00  }
0x4d: {  	_ =	swait.ge [sflag:s22], $0x200  }
0x4e: {  	[sflag:s22] =	ssyncset.done $0x0  }
0x4f: {  	s26 =	simm.s32 $0x0;
	[sflag:s22] =	ssyncadd.s32 $0xFFFFFE00  }
0x50: {  	v0 =	vld [tilespmem:s26+$0x800]  }
0x51: {  	v1 =	vld [tilespmem:s26+$0xA00]  }
0x52: {  	s28 =	simm.s32 $0x10  }
0x53: {  	v2 =	vld [tilespmem:s28+$0x800]  }
0x54: {  	v3 =	vld [tilespmem:s28+$0xA00];
	_ =	sdelay $0x1  }
0x55: {  	v0 =	vsub.f32 v0, v1;
	_ =	sdelay $0x1  }
0x56: {  	v0 =	vmul.f32 $1.442695020e+00, v0  }
0x57: {  	v1 =	vsub.f32 v2, v3  }
0x58: {  	(erf) = vpow2.f32 v0  }
0x59: {  	s29 =	simm.s32 $0x20;
	v2 =	vmul.f32 $1.442695020e+00, v1  }
0x5a: {  	v1 =	vld [tilespmem:s29+$0xA00]  }
0x5b: {  	v0 =	vld [tilespmem:s29+$0x800];
	(erf) = vpow2.f32 v2;
	_ =	sdelay $0x2  }
0x5c: {  	s30 =	simm.s32 $0xC0  }
.LBB2_4:
0x5d: {  	s31 =	sshra.s32 s30, $0x2;
	p0 =	sne.s32 s30, $0x7C0  }
.Ltmp1:
0x5e: {  	s30 =	sadd.s32 $0x40, s30;
	v2 =	vsub.f32 v0, v1;
	v0 =	vld [tilespmem:s31+$0x800];
	(pc) =	sbr.rel @p0 .LBB2_4-.Ltmp1, $4  }
0x5f: {  	v1 =	vld [tilespmem:s31+$0xA00];
	v3 =	vpop (erf)  }
0x60: {  	v2 =	vmul.f32 $1.442695020e+00, v2;
	[tilespmem:s26+$0xE00] =	vst v3;
	s26 =	smov.u32 s28;
	s28 =	smov.u32 s29;
	s29 =	smov.u32 s31  }
0x61: {  	_ = 	snop  }
0x62: {  	(erf) = vpow2.f32 v2  }
0x63: {  	_ = 	snop  }
0x64: {  	v0 =	vsub.f32 v0, v1;
	_ =	sdelay $0x1  }
0x65: {  	v0 =	vmul.f32 $1.442695020e+00, v0;
	_ =	sdelay $0x1  }
0x66: {  	(erf) = vpow2.f32 v0;
	_ =	sdelay $0x6  }
0x67: {  	v61 =	vpop (erf)  }
0x68: {  	[tilespmem:s26+$0xE00] =	vst v61;
	v62 =	vpop (erf)  }
0x69: {  	[tilespmem:s28+$0xE00] =	vst v62;
	v63 =	vpop (erf)  }
0x6a: {  	s25 =	sadd.s32 $0x1, s25;
	[tilespmem:s29+$0xE00] =	vst v63  }
0x6b: {  	[hbm4b:s9+s5] =	stream.linear.scatter [tilespmem:s23], [sflag:$0x6], $0x200, $0x38;
	[tilespmem:$0x1080] =	vst v63  }
0x6c: {  	p0 =	sne.s32 s25, s10;
	_ =	swait.ge [sflag:s24], $0x200  }
.Ltmp2:
0x6d: {  	[sflag:s24] =	ssyncset.done $0x0;
	(pc) =	sbr.rel @p0 .LBB2_1-.Ltmp2, $4  }
0x6e: {  	[sflag:s24] =	ssyncadd.s32 $0xFFFFFE00  }
0x6f: {  	_ =	swait.ge [sflag:s24], $0x200  }
0x70: {  	[sflag:s24] =	ssyncset.done $0x0  }
0x71: {  	[sflag:s24] =	ssyncadd.s32 $0xFFFFFE00  }
0x72: {  	_ =	sfence.sel $0x180000  }
0x73: {  	[bflag:$0x0] =	sbarrier.arrive $0xFFFF  }
0x74: {  	p0 =	sne.s32 s4, $0x0;
	_ =	strace $0x90000047  }
0x75: {  	s0 =	sadd.s32 @!p0 $0x100000, s0;
	[bflag:$0x2] =	sbarrier.arrive $0xFFFF  }
0x76: {  	[sflag:s0] =	ssyncadd.tile.s32 @!p0 $0x1;
	_ =	shalt  }
.Lfunc_end2:
_tile_overlayer_lowered:
.L_overlay_start_2:
0x77: {  	(tag) =	ssettag $0x2  }
0x78: {  	s0 =	rddreg [dreg:$0x0];
	s2 =	stileid.u32  }
0x79: {  	s1 =	rddreg [dreg:$0x1];
	p0 =	sne.s32 s2, $0x0  }
0x7a: {  	s3 =	rddreg [dreg:$0x2];
	[bflag:$0x3] =	sbarrier.arrive $0xFFFF;
	s2 =	simm.s32 @!p0 $0x1C07  }
0x7b: {  	[timem:s3], [sflag:s2] =	dma.local @!p0 [hbm:s0], s1  }
0x7c: {  	s0 =	simm.s32 @!p0 $0x7  }
0x7d: {  	_ =	swait.ge @!p0 [sflag:s0], s1  }
0x7e: {  	s1 =	ssub.s32 @!p0 $0x0, s1;
	[sflag:s0] =	ssyncset.done @!p0 $0x0  }
0x7f: {  	[sflag:s0] =	ssyncadd.s32 @!p0 s1  }
0x80: {  	[bflag:$0x3] =	sbarrier.arrive $0xFFFF  }
0x81: {  	_ =	shalt  }

</sc_bundles>
